<compile_context>
chip_gen: v7x
topology: tpu7x:2x2x1
jax: 0.10.2.dev20260603
libtpu: 0.0.44.dev20260713+nightly
codegen_flags: <defaults>
</compile_context>

<pallas_src>
import functools

import jax
import jax.numpy as jnp
from jax import lax
from jax.experimental import pallas as pl
from jax.experimental.pallas import tpu as pltpu
from jax.experimental.pallas import tpu_sc as plsc

_LANES = 16


def _make_sc_gather(vocab, dim, batch):
    info = plsc.get_sparse_core_info()
    num_cores, num_subcores = info.num_cores, info.num_subcores
    num_workers = num_cores * num_subcores
    assert batch % (8 * num_workers) == 0
    b_per_w = batch // num_workers
    mesh = plsc.VectorSubcoreMesh(core_axis_name="c", subcore_axis_name="s")

    @functools.partial(
        pl.kernel,
        mesh=mesh,
        out_type=jax.ShapeDtypeStruct((dim, batch), jnp.float32),
        scratch_types=[
            pltpu.VMEM((b_per_w,), jnp.int32),
            pltpu.VMEM((b_per_w, 128), jnp.float32),
            pltpu.VMEM((dim, b_per_w), jnp.float32),
            pltpu.SemaphoreType.DMA,
        ],
        compiler_params=pltpu.CompilerParams(needs_layout_passes=False),
    )
    def gather_kernel(idx_hbm, padded_hbm, out_hbm, idx_v, rows_v, out_v, sem):
        wid = lax.axis_index("s") * num_cores + lax.axis_index("c")
        base = wid * b_per_w
        pltpu.sync_copy(idx_hbm.at[pl.ds(base, b_per_w)], idx_v)

        pltpu.async_copy(padded_hbm.at[idx_v], rows_v, sem).wait()

        iota = lax.iota(jnp.int32, _LANES)

        def extract_body(jc, _):
            row_ids = jc * _LANES + iota
            for e in range(dim):
                out_v[e, pl.ds(jc * _LANES, _LANES)] = plsc.load_gather(
                    rows_v, [row_ids, jnp.full((_LANES,), e, jnp.int32)]
                )
            return _

        lax.fori_loop(0, b_per_w // _LANES, extract_body, 0)

        pltpu.sync_copy(out_v, out_hbm.at[:, pl.ds(base, b_per_w)])

    return gather_kernel


def kernel(node_idx, table):
    batch = node_idx.shape[0]
    vocab, dim = table.shape
    gather = _make_sc_gather(vocab, dim, batch)
    padded = jnp.pad(table, ((0, 0), (0, 128 - dim)))
    out_t = gather(node_idx.astype(jnp.int32), padded)
    return jnp.swapaxes(out_t, 0, 1)

# --- scband reference (transcript-rebuilt; emitter-appended) ---
"""Pipeline reference for scband-node-id-embedding-9938554323118 (READ-ONLY COPY).

The authoritative reference and input builder live on the scoring server;
editing this copy changes nothing except your own understanding.
"""

import jax, jax.numpy as jnp
import numpy as np

VOCAB = 1000000
EMBED_DIM = 32
BATCH = 16384

def setup_inputs(seed: int = 0) -> dict:
    key = jax.random.key(seed)
    k1, k2 = jax.random.split(key)
    node_idx = jax.random.randint(k1, (BATCH,), 0, VOCAB, dtype=jnp.int64 if jax.config.jax_enable_x64 else jnp.int32)
    table = jax.random.normal(k2, (VOCAB, EMBED_DIM), dtype=jnp.float32)
    return {"node_idx": node_idx, "table": table}

def reference(node_idx, table):
    # NodeIdEmbedding.forward: embedding lookup of node ids
    return jnp.take(table, node_idx, axis=0)

if __name__ == "__main__":
    import jax
    _d = setup_inputs()
    print(jax.jit(kernel)(*tuple(_d.values())))

</pallas_src>

<mosaic_0001>
#map = affine_map<(d0, d1) -> (0)>
#map1 = affine_map<(d0, d1) -> (0, 0)>
module attributes {stable_mosaic.version = 14 : i64} {
  func.func @gather_kernel(%arg0: i32, %arg1: i32, %arg2: memref<16384xi32, #tpu.memory_space<hbm>>, %arg3: memref<1000000x128xf32, #tpu.memory_space<hbm>>, %arg4: memref<32x16384xf32, #tpu.memory_space<hbm>>, %arg5: memref<512xi32, #tpu.memory_space<vmem>>, %arg6: memref<512x128xf32, #tpu.memory_space<vmem>>, %arg7: memref<32x512xf32, #tpu.memory_space<vmem>>, %arg8: memref<!tpu.dma_semaphore, #tpu.memory_space<semaphore_mem>>) attributes {dimension_semantics = [#tpu.dimension_semantics<core_parallel>, #tpu.dimension_semantics<subcore_parallel>], iteration_bounds = array<i64: 2, 16>, scalar_prefetch = 0 : i64, scratch_operands = 4 : i64, tpu.core_type = #tpu.core_type<sc_vector_subcore>, window_params = [{transform_indices = #map}, {transform_indices = #map1}, {transform_indices = #map1}]} {
    %mul3A = arith.constant 2 : i32
    %mul3A_0 = arith.muli %arg1, %mul3A : i32
    %add3A = arith.addi %mul3A_0, %arg0 : i32
    %mul3A_1 = arith.constant 512 : i32
    %mul3A_2 = arith.muli %add3A, %mul3A_1 : i32
    "tpu.region"() ({
      %run_scoped3A = tpu.sem_alloc : memref<!tpu.dma_semaphore, #tpu.memory_space<semaphore_mem>>
      %dma_start3A_12 = tpu.memref_slice %arg2[%mul3A_2] : memref<16384xi32, #tpu.memory_space<hbm>> -> memref<512xi32, #tpu.memory_space<hbm>>
      %dma_start3A_13 = tpu.memref_slice %arg2[%mul3A_2] : memref<16384xi32, #tpu.memory_space<hbm>> -> memref<512xi32, #tpu.memory_space<hbm>>
      tpu.enqueue_dma source(%dma_start3A_13 : memref<512xi32, #tpu.memory_space<hbm>>) target(%arg5 : memref<512xi32, #tpu.memory_space<vmem>>) target_semaphore(%run_scoped3A : memref<!tpu.dma_semaphore, #tpu.memory_space<semaphore_mem>>)
      %dma_wait3A_14 = tpu.memref_slice %arg2[%mul3A_2] : memref<16384xi32, #tpu.memory_space<hbm>> -> memref<512xi32, #tpu.memory_space<hbm>>
      %dma_wait3A_15 = tpu.memref_slice %arg2[%mul3A_2] : memref<16384xi32, #tpu.memory_space<hbm>> -> memref<512xi32, #tpu.memory_space<hbm>>
      tpu.wait_dma2 semaphore(%run_scoped3A : memref<!tpu.dma_semaphore, #tpu.memory_space<semaphore_mem>>) src(%dma_wait3A_15 : memref<512xi32, #tpu.memory_space<hbm>>) dst(%arg5 : memref<512xi32, #tpu.memory_space<vmem>>)
      tpu.yield
    }) : () -> ()
    %dma_start3A = arith.constant 0 : i32
    %dma_start3A_3 = arith.constant 0 : i32
    %dma_start3A_4 = tpu.memref_slice %arg3[%dma_start3A, %dma_start3A_3] : memref<1000000x128xf32, #tpu.memory_space<hbm>> -> memref<1000000x128xf32, #tpu.memory_space<hbm>>
    tpu.enqueue_indirect_dma source(%dma_start3A_4 : memref<1000000x128xf32, #tpu.memory_space<hbm>>) target(%arg6 : memref<512x128xf32, #tpu.memory_space<vmem>>) offsets(%arg5 : memref<512xi32, #tpu.memory_space<vmem>>) semaphore(%arg8 : memref<!tpu.dma_semaphore, #tpu.memory_space<semaphore_mem>>)
    %dma_wait3A = arith.constant 0 : i32
    %dma_wait3A_5 = arith.constant 0 : i32
    %dma_wait3A_6 = tpu.memref_slice %arg3[%dma_wait3A, %dma_wait3A_5] : memref<1000000x128xf32, #tpu.memory_space<hbm>> -> memref<1000000x128xf32, #tpu.memory_space<hbm>>
    tpu.wait_indirect_dma semaphore(%arg8 : memref<!tpu.dma_semaphore, #tpu.memory_space<semaphore_mem>>) src(%dma_wait3A_6 : memref<1000000x128xf32, #tpu.memory_space<hbm>>) dst(%arg6 : memref<512x128xf32, #tpu.memory_space<vmem>>)
    %iota3A = tpu.iota {dimensions = array<i32: 0>} : vector<16xi32>
    %scan3A = arith.constant 0 : i32
    %scan3A_7 = arith.constant 0 : i32
    %scan3A_8 = arith.constant 32 : i32
    %scan3A_9 = arith.addi %scan3A_7, %scan3A_8 : i32
    %scan3A_10 = arith.constant 1 : i32
    scf.for %scan3A_12 = %scan3A_7 to %scan3A_9 step %scan3A_10  : i32 {
      %mul3A_13 = arith.constant 16 : i32
      %mul3A_14 = arith.muli %scan3A_12, %mul3A_13 : i32
      %add3A_15 = vector.broadcast %mul3A_14 : i32 to vector<16xi32>
      %add3A_16 = arith.addi %add3A_15, %iota3A : vector<16xi32>
      %broadcast_in_dim3A = arith.constant 0 : i32
      %broadcast_in_dim3A_17 = vector.broadcast %broadcast_in_dim3A : i32 to vector<16xi32>
      %gather3A = tpu.vector_load_idx %arg6[%add3A_16, %broadcast_in_dim3A_17] : memref<512x128xf32, #tpu.memory_space<vmem>>[vector<16xi32>, vector<16xi32>], vector<16xf32>,
      %mul3A_18 = arith.constant 16 : i32
      %mul3A_19 = arith.muli %scan3A_12, %mul3A_18 : i32
      %swap3A = arith.constant 0 : i32
      %swap3A_20 = arith.index_cast %swap3A : i32 to index
      %swap3A_21 = arith.index_cast %mul3A_19 : i32 to index
      %swap3A_22 = tpu.vector_load %arg7[%swap3A_20, %swap3A_21] {strides = array<i32>} : memref<32x512xf32, #tpu.memory_space<vmem>>, vector<16xf32>,
      tpu.vector_store %arg7[%swap3A_20, %swap3A_21], %gather3A {strides = array<i32>} : memref<32x512xf32, #tpu.memory_space<vmem>>, vector<16xf32>,
      %broadcast_in_dim3A_23 = arith.constant 1 : i32
      %broadcast_in_dim3A_24 = vector.broadcast %broadcast_in_dim3A_23 : i32 to vector<16xi32>
      %gather3A_25 = tpu.vector_load_idx %arg6[%add3A_16, %broadcast_in_dim3A_24] : memref<512x128xf32, #tpu.memory_space<vmem>>[vector<16xi32>, vector<16xi32>], vector<16xf32>,
      %mul3A_26 = arith.constant 16 : i32
      %mul3A_27 = arith.muli %scan3A_12, %mul3A_26 : i32
      %swap3A_28 = arith.constant 1 : i32
      %swap3A_29 = arith.index_cast %swap3A_28 : i32 to index
      %swap3A_30 = arith.index_cast %mul3A_27 : i32 to index
      %swap3A_31 = tpu.vector_load %arg7[%swap3A_29, %swap3A_30] {strides = array<i32>} : memref<32x512xf32, #tpu.memory_space<vmem>>, vector<16xf32>,
      tpu.vector_store %arg7[%swap3A_29, %swap3A_30], %gather3A_25 {strides = array<i32>} : memref<32x512xf32, #tpu.memory_space<vmem>>, vector<16xf32>,
      %broadcast_in_dim3A_32 = arith.constant 2 : i32
      %broadcast_in_dim3A_33 = vector.broadcast %broadcast_in_dim3A_32 : i32 to vector<16xi32>
      %gather3A_34 = tpu.vector_load_idx %arg6[%add3A_16, %broadcast_in_dim3A_33] : memref<512x128xf32, #tpu.memory_space<vmem>>[vector<16xi32>, vector<16xi32>], vector<16xf32>,
      %mul3A_35 = arith.constant 16 : i32
      %mul3A_36 = arith.muli %scan3A_12, %mul3A_35 : i32
      %swap3A_37 = arith.constant 2 : i32
      %swap3A_38 = arith.index_cast %swap3A_37 : i32 to index
      %swap3A_39 = arith.index_cast %mul3A_36 : i32 to index
      %swap3A_40 = tpu.vector_load %arg7[%swap3A_38, %swap3A_39] {strides = array<i32>} : memref<32x512xf32, #tpu.memory_space<vmem>>, vector<16xf32>,
      tpu.vector_store %arg7[%swap3A_38, %swap3A_39], %gather3A_34 {strides = array<i32>} : memref<32x512xf32, #tpu.memory_space<vmem>>, vector<16xf32>,
      %broadcast_in_dim3A_41 = arith.constant 3 : i32
      %broadcast_in_dim3A_42 = vector.broadcast %broadcast_in_dim3A_41 : i32 to vector<16xi32>
      %gather3A_43 = tpu.vector_load_idx %arg6[%add3A_16, %broadcast_in_dim3A_42] : memref<512x128xf32, #tpu.memory_space<vmem>>[vector<16xi32>, vector<16xi32>], vector<16xf32>,
      %mul3A_44 = arith.constant 16 : i32
      %mul3A_45 = arith.muli %scan3A_12, %mul3A_44 : i32
      %swap3A_46 = arith.constant 3 : i32
      %swap3A_47 = arith.index_cast %swap3A_46 : i32 to index
      %swap3A_48 = arith.index_cast %mul3A_45 : i32 to index
      %swap3A_49 = tpu.vector_load %arg7[%swap3A_47, %swap3A_48] {strides = array<i32>} : memref<32x512xf32, #tpu.memory_space<vmem>>, vector<16xf32>,
      tpu.vector_store %arg7[%swap3A_47, %swap3A_48], %gather3A_43 {strides = array<i32>} : memref<32x512xf32, #tpu.memory_space<vmem>>, vector<16xf32>,
      %broadcast_in_dim3A_50 = arith.constant 4 : i32
      %broadcast_in_dim3A_51 = vector.broadcast %broadcast_in_dim3A_50 : i32 to vector<16xi32>
      %gather3A_52 = tpu.vector_load_idx %arg6[%add3A_16, %broadcast_in_dim3A_51] : memref<512x128xf32, #tpu.memory_space<vmem>>[vector<16xi32>, vector<16xi32>], vector<16xf32>,
      %mul3A_53 = arith.constant 16 : i32
      %mul3A_54 = arith.muli %scan3A_12, %mul3A_53 : i32
      %swap3A_55 = arith.constant 4 : i32
      %swap3A_56 = arith.index_cast %swap3A_55 : i32 to index
      %swap3A_57 = arith.index_cast %mul3A_54 : i32 to index
      %swap3A_58 = tpu.vector_load %arg7[%swap3A_56, %swap3A_57] {strides = array<i32>} : memref<32x512xf32, #tpu.memory_space<vmem>>, vector<16xf32>,
      tpu.vector_store %arg7[%swap3A_56, %swap3A_57], %gather3A_52 {strides = array<i32>} : memref<32x512xf32, #tpu.memory_space<vmem>>, vector<16xf32>,
      %broadcast_in_dim3A_59 = arith.constant 5 : i32
      %broadcast_in_dim3A_60 = vector.broadcast %broadcast_in_dim3A_59 : i32 to vector<16xi32>
      %gather3A_61 = tpu.vector_load_idx %arg6[%add3A_16, %broadcast_in_dim3A_60] : memref<512x128xf32, #tpu.memory_space<vmem>>[vector<16xi32>, vector<16xi32>], vector<16xf32>,
      %mul3A_62 = arith.constant 16 : i32
      %mul3A_63 = arith.muli %scan3A_12, %mul3A_62 : i32
      %swap3A_64 = arith.constant 5 : i32
      %swap3A_65 = arith.index_cast %swap3A_64 : i32 to index
      %swap3A_66 = arith.index_cast %mul3A_63 : i32 to index
      %swap3A_67 = tpu.vector_load %arg7[%swap3A_65, %swap3A_66] {strides = array<i32>} : memref<32x512xf32, #tpu.memory_space<vmem>>, vector<16xf32>,
      tpu.vector_store %arg7[%swap3A_65, %swap3A_66], %gather3A_61 {strides = array<i32>} : memref<32x512xf32, #tpu.memory_space<vmem>>, vector<16xf32>,
      %broadcast_in_dim3A_68 = arith.constant 6 : i32
      %broadcast_in_dim3A_69 = vector.broadcast %broadcast_in_dim3A_68 : i32 to vector<16xi32>
      %gather3A_70 = tpu.vector_load_idx %arg6[%add3A_16, %broadcast_in_dim3A_69] : memref<512x128xf32, #tpu.memory_space<vmem>>[vector<16xi32>, vector<16xi32>], vector<16xf32>,
      %mul3A_71 = arith.constant 16 : i32
      %mul3A_72 = arith.muli %scan3A_12, %mul3A_71 : i32
      %swap3A_73 = arith.constant 6 : i32
      %swap3A_74 = arith.index_cast %swap3A_73 : i32 to index
      %swap3A_75 = arith.index_cast %mul3A_72 : i32 to index
      %swap3A_76 = tpu.vector_load %arg7[%swap3A_74, %swap3A_75] {strides = array<i32>} : memref<32x512xf32, #tpu.memory_space<vmem>>, vector<16xf32>,
      tpu.vector_store %arg7[%swap3A_74, %swap3A_75], %gather3A_70 {strides = array<i32>} : memref<32x512xf32, #tpu.memory_space<vmem>>, vector<16xf32>,
      %broadcast_in_dim3A_77 = arith.constant 7 : i32
      %broadcast_in_dim3A_78 = vector.broadcast %broadcast_in_dim3A_77 : i32 to vector<16xi32>
      %gather3A_79 = tpu.vector_load_idx %arg6[%add3A_16, %broadcast_in_dim3A_78] : memref<512x128xf32, #tpu.memory_space<vmem>>[vector<16xi32>, vector<16xi32>], vector<16xf32>,
      %mul3A_80 = arith.constant 16 : i32
      %mul3A_81 = arith.muli %scan3A_12, %mul3A_80 : i32
      %swap3A_82 = arith.constant 7 : i32
      %swap3A_83 = arith.index_cast %swap3A_82 : i32 to index
      %swap3A_84 = arith.index_cast %mul3A_81 : i32 to index
      %swap3A_85 = tpu.vector_load %arg7[%swap3A_83, %swap3A_84] {strides = array<i32>} : memref<32x512xf32, #tpu.memory_space<vmem>>, vector<16xf32>,
      tpu.vector_store %arg7[%swap3A_83, %swap3A_84], %gather3A_79 {strides = array<i32>} : memref<32x512xf32, #tpu.memory_space<vmem>>, vector<16xf32>,
      %broadcast_in_dim3A_86 = arith.constant 8 : i32
      %broadcast_in_dim3A_87 = vector.broadcast %broadcast_in_dim3A_86 : i32 to vector<16xi32>
      %gather3A_88 = tpu.vector_load_idx %arg6[%add3A_16, %broadcast_in_dim3A_87] : memref<512x128xf32, #tpu.memory_space<vmem>>[vector<16xi32>, vector<16xi32>], vector<16xf32>,
      %mul3A_89 = arith.constant 16 : i32
      %mul3A_90 = arith.muli %scan3A_12, %mul3A_89 : i32
      %swap3A_91 = arith.constant 8 : i32
      %swap3A_92 = arith.index_cast %swap3A_91 : i32 to index
      %swap3A_93 = arith.index_cast %mul3A_90 : i32 to index
      %swap3A_94 = tpu.vector_load %arg7[%swap3A_92, %swap3A_93] {strides = array<i32>} : memref<32x512xf32, #tpu.memory_space<vmem>>, vector<16xf32>,
      tpu.vector_store %arg7[%swap3A_92, %swap3A_93], %gather3A_88 {strides = array<i32>} : memref<32x512xf32, #tpu.memory_space<vmem>>, vector<16xf32>,
      %broadcast_in_dim3A_95 = arith.constant 9 : i32
      %broadcast_in_dim3A_96 = vector.broadcast %broadcast_in_dim3A_95 : i32 to vector<16xi32>
      %gather3A_97 = tpu.vector_load_idx %arg6[%add3A_16, %broadcast_in_dim3A_96] : memref<512x128xf32, #tpu.memory_space<vmem>>[vector<16xi32>, vector<16xi32>], vector<16xf32>,
      %mul3A_98 = arith.constant 16 : i32
      %mul3A_99 = arith.muli %scan3A_12, %mul3A_98 : i32
      %swap3A_100 = arith.constant 9 : i32
      %swap3A_101 = arith.index_cast %swap3A_100 : i32 to index
      %swap3A_102 = arith.index_cast %mul3A_99 : i32 to index
      %swap3A_103 = tpu.vector_load %arg7[%swap3A_101, %swap3A_102] {strides = array<i32>} : memref<32x512xf32, #tpu.memory_space<vmem>>, vector<16xf32>,
      tpu.vector_store %arg7[%swap3A_101, %swap3A_102], %gather3A_97 {strides = array<i32>} : memref<32x512xf32, #tpu.memory_space<vmem>>, vector<16xf32>,
      %broadcast_in_dim3A_104 = arith.constant 10 : i32
      %broadcast_in_dim3A_105 = vector.broadcast %broadcast_in_dim3A_104 : i32 to vector<16xi32>
      %gather3A_106 = tpu.vector_load_idx %arg6[%add3A_16, %broadcast_in_dim3A_105] : memref<512x128xf32, #tpu.memory_space<vmem>>[vector<16xi32>, vector<16xi32>], vector<16xf32>,
      %mul3A_107 = arith.constant 16 : i32
      %mul3A_108 = arith.muli %scan3A_12, %mul3A_107 : i32
      %swap3A_109 = arith.constant 10 : i32
      %swap3A_110 = arith.index_cast %swap3A_109 : i32 to index
      %swap3A_111 = arith.index_cast %mul3A_108 : i32 to index
      %swap3A_112 = tpu.vector_load %arg7[%swap3A_110, %swap3A_111] {strides = array<i32>} : memref<32x512xf32, #tpu.memory_space<vmem>>, vector<16xf32>,
      tpu.vector_store %arg7[%swap3A_110, %swap3A_111], %gather3A_106 {strides = array<i32>} : memref<32x512xf32, #tpu.memory_space<vmem>>, vector<16xf32>,
      %broadcast_in_dim3A_113 = arith.constant 11 : i32
      %broadcast_in_dim3A_114 = vector.broadcast %broadcast_in_dim3A_113 : i32 to vector<16xi32>
      %gather3A_115 = tpu.vector_load_idx %arg6[%add3A_16, %broadcast_in_dim3A_114] : memref<512x128xf32, #tpu.memory_space<vmem>>[vector<16xi32>, vector<16xi32>], vector<16xf32>,
      %mul3A_116 = arith.constant 16 : i32
      %mul3A_117 = arith.muli %scan3A_12, %mul3A_116 : i32
      %swap3A_118 = arith.constant 11 : i32
      %swap3A_119 = arith.index_cast %swap3A_118 : i32 to index
      %swap3A_120 = arith.index_cast %mul3A_117 : i32 to index
      %swap3A_121 = tpu.vector_load %arg7[%swap3A_119, %swap3A_120] {strides = array<i32>} : memref<32x512xf32, #tpu.memory_space<vmem>>, vector<16xf32>,
      tpu.vector_store %arg7[%swap3A_119, %swap3A_120], %gather3A_115 {strides = array<i32>} : memref<32x512xf32, #tpu.memory_space<vmem>>, vector<16xf32>,
      %broadcast_in_dim3A_122 = arith.constant 12 : i32
      %broadcast_in_dim3A_123 = vector.broadcast %broadcast_in_dim3A_122 : i32 to vector<16xi32>
      %gather3A_124 = tpu.vector_load_idx %arg6[%add3A_16, %broadcast_in_dim3A_123] : memref<512x128xf32, #tpu.memory_space<vmem>>[vector<16xi32>, vector<16xi32>], vector<16xf32>,
      %mul3A_125 = arith.constant 16 : i32
      %mul3A_126 = arith.muli %scan3A_12, %mul3A_125 : i32
      %swap3A_127 = arith.constant 12 : i32
      %swap3A_128 = arith.index_cast %swap3A_127 : i32 to index
      %swap3A_129 = arith.index_cast %mul3A_126 : i32 to index
      %swap3A_130 = tpu.vector_load %arg7[%swap3A_128, %swap3A_129] {strides = array<i32>} : memref<32x512xf32, #tpu.memory_space<vmem>>, vector<16xf32>,
      tpu.vector_store %arg7[%swap3A_128, %swap3A_129], %gather3A_124 {strides = array<i32>} : memref<32x512xf32, #tpu.memory_space<vmem>>, vector<16xf32>,
      %broadcast_in_dim3A_131 = arith.constant 13 : i32
      %broadcast_in_dim3A_132 = vector.broadcast %broadcast_in_dim3A_131 : i32 to vector<16xi32>
      %gather3A_133 = tpu.vector_load_idx %arg6[%add3A_16, %broadcast_in_dim3A_132] : memref<512x128xf32, #tpu.memory_space<vmem>>[vector<16xi32>, vector<16xi32>], vector<16xf32>,
      %mul3A_134 = arith.constant 16 : i32
      %mul3A_135 = arith.muli %scan3A_12, %mul3A_134 : i32
      %swap3A_136 = arith.constant 13 : i32
      %swap3A_137 = arith.index_cast %swap3A_136 : i32 to index
      %swap3A_138 = arith.index_cast %mul3A_135 : i32 to index
      %swap3A_139 = tpu.vector_load %arg7[%swap3A_137, %swap3A_138] {strides = array<i32>} : memref<32x512xf32, #tpu.memory_space<vmem>>, vector<16xf32>,
      tpu.vector_store %arg7[%swap3A_137, %swap3A_138], %gather3A_133 {strides = array<i32>} : memref<32x512xf32, #tpu.memory_space<vmem>>, vector<16xf32>,
      %broadcast_in_dim3A_140 = arith.constant 14 : i32
      %broadcast_in_dim3A_141 = vector.broadcast %broadcast_in_dim3A_140 : i32 to vector<16xi32>
      %gather3A_142 = tpu.vector_load_idx %arg6[%add3A_16, %broadcast_in_dim3A_141] : memref<512x128xf32, #tpu.memory_space<vmem>>[vector<16xi32>, vector<16xi32>], vector<16xf32>,
      %mul3A_143 = arith.constant 16 : i32
      %mul3A_144 = arith.muli %scan3A_12, %mul3A_143 : i32
      %swap3A_145 = arith.constant 14 : i32
      %swap3A_146 = arith.index_cast %swap3A_145 : i32 to index
      %swap3A_147 = arith.index_cast %mul3A_144 : i32 to index
      %swap3A_148 = tpu.vector_load %arg7[%swap3A_146, %swap3A_147] {strides = array<i32>} : memref<32x512xf32, #tpu.memory_space<vmem>>, vector<16xf32>,
      tpu.vector_store %arg7[%swap3A_146, %swap3A_147], %gather3A_142 {strides = array<i32>} : memref<32x512xf32, #tpu.memory_space<vmem>>, vector<16xf32>,
      %broadcast_in_dim3A_149 = arith.constant 15 : i32
      %broadcast_in_dim3A_150 = vector.broadcast %broadcast_in_dim3A_149 : i32 to vector<16xi32>
      %gather3A_151 = tpu.vector_load_idx %arg6[%add3A_16, %broadcast_in_dim3A_150] : memref<512x128xf32, #tpu.memory_space<vmem>>[vector<16xi32>, vector<16xi32>], vector<16xf32>,
      %mul3A_152 = arith.constant 16 : i32
      %mul3A_153 = arith.muli %scan3A_12, %mul3A_152 : i32
      %swap3A_154 = arith.constant 15 : i32
      %swap3A_155 = arith.index_cast %swap3A_154 : i32 to index
      %swap3A_156 = arith.index_cast %mul3A_153 : i32 to index
      %swap3A_157 = tpu.vector_load %arg7[%swap3A_155, %swap3A_156] {strides = array<i32>} : memref<32x512xf32, #tpu.memory_space<vmem>>, vector<16xf32>,
      tpu.vector_store %arg7[%swap3A_155, %swap3A_156], %gather3A_151 {strides = array<i32>} : memref<32x512xf32, #tpu.memory_space<vmem>>, vector<16xf32>,
      %broadcast_in_dim3A_158 = arith.constant 16 : i32
      %broadcast_in_dim3A_159 = vector.broadcast %broadcast_in_dim3A_158 : i32 to vector<16xi32>
      %gather3A_160 = tpu.vector_load_idx %arg6[%add3A_16, %broadcast_in_dim3A_159] : memref<512x128xf32, #tpu.memory_space<vmem>>[vector<16xi32>, vector<16xi32>], vector<16xf32>,
      %mul3A_161 = arith.constant 16 : i32
      %mul3A_162 = arith.muli %scan3A_12, %mul3A_161 : i32
      %swap3A_163 = arith.constant 16 : i32
      %swap3A_164 = arith.index_cast %swap3A_163 : i32 to index
      %swap3A_165 = arith.index_cast %mul3A_162 : i32 to index
      %swap3A_166 = tpu.vector_load %arg7[%swap3A_164, %swap3A_165] {strides = array<i32>} : memref<32x512xf32, #tpu.memory_space<vmem>>, vector<16xf32>,
      tpu.vector_store %arg7[%swap3A_164, %swap3A_165], %gather3A_160 {strides = array<i32>} : memref<32x512xf32, #tpu.memory_space<vmem>>, vector<16xf32>,
      %broadcast_in_dim3A_167 = arith.constant 17 : i32
      %broadcast_in_dim3A_168 = vector.broadcast %broadcast_in_dim3A_167 : i32 to vector<16xi32>
      %gather3A_169 = tpu.vector_load_idx %arg6[%add3A_16, %broadcast_in_dim3A_168] : memref<512x128xf32, #tpu.memory_space<vmem>>[vector<16xi32>, vector<16xi32>], vector<16xf32>,
      %mul3A_170 = arith.constant 16 : i32
      %mul3A_171 = arith.muli %scan3A_12, %mul3A_170 : i32
      %swap3A_172 = arith.constant 17 : i32
      %swap3A_173 = arith.index_cast %swap3A_172 : i32 to index
      %swap3A_174 = arith.index_cast %mul3A_171 : i32 to index
      %swap3A_175 = tpu.vector_load %arg7[%swap3A_173, %swap3A_174] {strides = array<i32>} : memref<32x512xf32, #tpu.memory_space<vmem>>, vector<16xf32>,
      tpu.vector_store %arg7[%swap3A_173, %swap3A_174], %gather3A_169 {strides = array<i32>} : memref<32x512xf32, #tpu.memory_space<vmem>>, vector<16xf32>,
      %broadcast_in_dim3A_176 = arith.constant 18 : i32
      %broadcast_in_dim3A_177 = vector.broadcast %broadcast_in_dim3A_176 : i32 to vector<16xi32>
      %gather3A_178 = tpu.vector_load_idx %arg6[%add3A_16, %broadcast_in_dim3A_177] : memref<512x128xf32, #tpu.memory_space<vmem>>[vector<16xi32>, vector<16xi32>], vector<16xf32>,
      %mul3A_179 = arith.constant 16 : i32
      %mul3A_180 = arith.muli %scan3A_12, %mul3A_179 : i32
      %swap3A_181 = arith.constant 18 : i32
      %swap3A_182 = arith.index_cast %swap3A_181 : i32 to index
      %swap3A_183 = arith.index_cast %mul3A_180 : i32 to index
      %swap3A_184 = tpu.vector_load %arg7[%swap3A_182, %swap3A_183] {strides = array<i32>} : memref<32x512xf32, #tpu.memory_space<vmem>>, vector<16xf32>,
      tpu.vector_store %arg7[%swap3A_182, %swap3A_183], %gather3A_178 {strides = array<i32>} : memref<32x512xf32, #tpu.memory_space<vmem>>, vector<16xf32>,
      %broadcast_in_dim3A_185 = arith.constant 19 : i32
      %broadcast_in_dim3A_186 = vector.broadcast %broadcast_in_dim3A_185 : i32 to vector<16xi32>
      %gather3A_187 = tpu.vector_load_idx %arg6[%add3A_16, %broadcast_in_dim3A_186] : memref<512x128xf32, #tpu.memory_space<vmem>>[vector<16xi32>, vector<16xi32>], vector<16xf32>,
      %mul3A_188 = arith.constant 16 : i32
      %mul3A_189 = arith.muli %scan3A_12, %mul3A_188 : i32
      %swap3A_190 = arith.constant 19 : i32
      %swap3A_191 = arith.index_cast %swap3A_190 : i32 to index
      %swap3A_192 = arith.index_cast %mul3A_189 : i32 to index
      %swap3A_193 = tpu.vector_load %arg7[%swap3A_191, %swap3A_192] {strides = array<i32>} : memref<32x512xf32, #tpu.memory_space<vmem>>, vector<16xf32>,
      tpu.vector_store %arg7[%swap3A_191, %swap3A_192], %gather3A_187 {strides = array<i32>} : memref<32x512xf32, #tpu.memory_space<vmem>>, vector<16xf32>,
      %broadcast_in_dim3A_194 = arith.constant 20 : i32
      %broadcast_in_dim3A_195 = vector.broadcast %broadcast_in_dim3A_194 : i32 to vector<16xi32>
      %gather3A_196 = tpu.vector_load_idx %arg6[%add3A_16, %broadcast_in_dim3A_195] : memref<512x128xf32, #tpu.memory_space<vmem>>[vector<16xi32>, vector<16xi32>], vector<16xf32>,
      %mul3A_197 = arith.constant 16 : i32
      %mul3A_198 = arith.muli %scan3A_12, %mul3A_197 : i32
      %swap3A_199 = arith.constant 20 : i32
      %swap3A_200 = arith.index_cast %swap3A_199 : i32 to index
      %swap3A_201 = arith.index_cast %mul3A_198 : i32 to index
      %swap3A_202 = tpu.vector_load %arg7[%swap3A_200, %swap3A_201] {strides = array<i32>} : memref<32x512xf32, #tpu.memory_space<vmem>>, vector<16xf32>,
      tpu.vector_store %arg7[%swap3A_200, %swap3A_201], %gather3A_196 {strides = array<i32>} : memref<32x512xf32, #tpu.memory_space<vmem>>, vector<16xf32>,
      %broadcast_in_dim3A_203 = arith.constant 21 : i32
      %broadcast_in_dim3A_204 = vector.broadcast %broadcast_in_dim3A_203 : i32 to vector<16xi32>
      %gather3A_205 = tpu.vector_load_idx %arg6[%add3A_16, %broadcast_in_dim3A_204] : memref<512x128xf32, #tpu.memory_space<vmem>>[vector<16xi32>, vector<16xi32>], vector<16xf32>,
      %mul3A_206 = arith.constant 16 : i32
      %mul3A_207 = arith.muli %scan3A_12, %mul3A_206 : i32
      %swap3A_208 = arith.constant 21 : i32
      %swap3A_209 = arith.index_cast %swap3A_208 : i32 to index
      %swap3A_210 = arith.index_cast %mul3A_207 : i32 to index
      %swap3A_211 = tpu.vector_load %arg7[%swap3A_209, %swap3A_210] {strides = array<i32>} : memref<32x512xf32, #tpu.memory_space<vmem>>, vector<16xf32>,
      tpu.vector_store %arg7[%swap3A_209, %swap3A_210], %gather3A_205 {strides = array<i32>} : memref<32x512xf32, #tpu.memory_space<vmem>>, vector<16xf32>,
      %broadcast_in_dim3A_212 = arith.constant 22 : i32
      %broadcast_in_dim3A_213 = vector.broadcast %broadcast_in_dim3A_212 : i32 to vector<16xi32>
      %gather3A_214 = tpu.vector_load_idx %arg6[%add3A_16, %broadcast_in_dim3A_213] : memref<512x128xf32, #tpu.memory_space<vmem>>[vector<16xi32>, vector<16xi32>], vector<16xf32>,
      %mul3A_215 = arith.constant 16 : i32
      %mul3A_216 = arith.muli %scan3A_12, %mul3A_215 : i32
      %swap3A_217 = arith.constant 22 : i32
      %swap3A_218 = arith.index_cast %swap3A_217 : i32 to index
      %swap3A_219 = arith.index_cast %mul3A_216 : i32 to index
      %swap3A_220 = tpu.vector_load %arg7[%swap3A_218, %swap3A_219] {strides = array<i32>} : memref<32x512xf32, #tpu.memory_space<vmem>>, vector<16xf32>,
      tpu.vector_store %arg7[%swap3A_218, %swap3A_219], %gather3A_214 {strides = array<i32>} : memref<32x512xf32, #tpu.memory_space<vmem>>, vector<16xf32>,
      %broadcast_in_dim3A_221 = arith.constant 23 : i32
      %broadcast_in_dim3A_222 = vector.broadcast %broadcast_in_dim3A_221 : i32 to vector<16xi32>
      %gather3A_223 = tpu.vector_load_idx %arg6[%add3A_16, %broadcast_in_dim3A_222] : memref<512x128xf32, #tpu.memory_space<vmem>>[vector<16xi32>, vector<16xi32>], vector<16xf32>,
      %mul3A_224 = arith.constant 16 : i32
      %mul3A_225 = arith.muli %scan3A_12, %mul3A_224 : i32
      %swap3A_226 = arith.constant 23 : i32
      %swap3A_227 = arith.index_cast %swap3A_226 : i32 to index
      %swap3A_228 = arith.index_cast %mul3A_225 : i32 to index
      %swap3A_229 = tpu.vector_load %arg7[%swap3A_227, %swap3A_228] {strides = array<i32>} : memref<32x512xf32, #tpu.memory_space<vmem>>, vector<16xf32>,
      tpu.vector_store %arg7[%swap3A_227, %swap3A_228], %gather3A_223 {strides = array<i32>} : memref<32x512xf32, #tpu.memory_space<vmem>>, vector<16xf32>,
      %broadcast_in_dim3A_230 = arith.constant 24 : i32
      %broadcast_in_dim3A_231 = vector.broadcast %broadcast_in_dim3A_230 : i32 to vector<16xi32>
      %gather3A_232 = tpu.vector_load_idx %arg6[%add3A_16, %broadcast_in_dim3A_231] : memref<512x128xf32, #tpu.memory_space<vmem>>[vector<16xi32>, vector<16xi32>], vector<16xf32>,
      %mul3A_233 = arith.constant 16 : i32
      %mul3A_234 = arith.muli %scan3A_12, %mul3A_233 : i32
      %swap3A_235 = arith.constant 24 : i32
      %swap3A_236 = arith.index_cast %swap3A_235 : i32 to index
      %swap3A_237 = arith.index_cast %mul3A_234 : i32 to index
      %swap3A_238 = tpu.vector_load %arg7[%swap3A_236, %swap3A_237] {strides = array<i32>} : memref<32x512xf32, #tpu.memory_space<vmem>>, vector<16xf32>,
      tpu.vector_store %arg7[%swap3A_236, %swap3A_237], %gather3A_232 {strides = array<i32>} : memref<32x512xf32, #tpu.memory_space<vmem>>, vector<16xf32>,
      %broadcast_in_dim3A_239 = arith.constant 25 : i32
      %broadcast_in_dim3A_240 = vector.broadcast %broadcast_in_dim3A_239 : i32 to vector<16xi32>
      %gather3A_241 = tpu.vector_load_idx %arg6[%add3A_16, %broadcast_in_dim3A_240] : memref<512x128xf32, #tpu.memory_space<vmem>>[vector<16xi32>, vector<16xi32>], vector<16xf32>,
      %mul3A_242 = arith.constant 16 : i32
      %mul3A_243 = arith.muli %scan3A_12, %mul3A_242 : i32
      %swap3A_244 = arith.constant 25 : i32
      %swap3A_245 = arith.index_cast %swap3A_244 : i32 to index
      %swap3A_246 = arith.index_cast %mul3A_243 : i32 to index
      %swap3A_247 = tpu.vector_load %arg7[%swap3A_245, %swap3A_246] {strides = array<i32>} : memref<32x512xf32, #tpu.memory_space<vmem>>, vector<16xf32>,
      tpu.vector_store %arg7[%swap3A_245, %swap3A_246], %gather3A_241 {strides = array<i32>} : memref<32x512xf32, #tpu.memory_space<vmem>>, vector<16xf32>,
      %broadcast_in_dim3A_248 = arith.constant 26 : i32
      %broadcast_in_dim3A_249 = vector.broadcast %broadcast_in_dim3A_248 : i32 to vector<16xi32>
      %gather3A_250 = tpu.vector_load_idx %arg6[%add3A_16, %broadcast_in_dim3A_249] : memref<512x128xf32, #tpu.memory_space<vmem>>[vector<16xi32>, vector<16xi32>], vector<16xf32>,
      %mul3A_251 = arith.constant 16 : i32
      %mul3A_252 = arith.muli %scan3A_12, %mul3A_251 : i32
      %swap3A_253 = arith.constant 26 : i32
      %swap3A_254 = arith.index_cast %swap3A_253 : i32 to index
      %swap3A_255 = arith.index_cast %mul3A_252 : i32 to index
      %swap3A_256 = tpu.vector_load %arg7[%swap3A_254, %swap3A_255] {strides = array<i32>} : memref<32x512xf32, #tpu.memory_space<vmem>>, vector<16xf32>,
      tpu.vector_store %arg7[%swap3A_254, %swap3A_255], %gather3A_250 {strides = array<i32>} : memref<32x512xf32, #tpu.memory_space<vmem>>, vector<16xf32>,
      %broadcast_in_dim3A_257 = arith.constant 27 : i32
      %broadcast_in_dim3A_258 = vector.broadcast %broadcast_in_dim3A_257 : i32 to vector<16xi32>
      %gather3A_259 = tpu.vector_load_idx %arg6[%add3A_16, %broadcast_in_dim3A_258] : memref<512x128xf32, #tpu.memory_space<vmem>>[vector<16xi32>, vector<16xi32>], vector<16xf32>,
      %mul3A_260 = arith.constant 16 : i32
      %mul3A_261 = arith.muli %scan3A_12, %mul3A_260 : i32
      %swap3A_262 = arith.constant 27 : i32
      %swap3A_263 = arith.index_cast %swap3A_262 : i32 to index
      %swap3A_264 = arith.index_cast %mul3A_261 : i32 to index
      %swap3A_265 = tpu.vector_load %arg7[%swap3A_263, %swap3A_264] {strides = array<i32>} : memref<32x512xf32, #tpu.memory_space<vmem>>, vector<16xf32>,
      tpu.vector_store %arg7[%swap3A_263, %swap3A_264], %gather3A_259 {strides = array<i32>} : memref<32x512xf32, #tpu.memory_space<vmem>>, vector<16xf32>,
      %broadcast_in_dim3A_266 = arith.constant 28 : i32
      %broadcast_in_dim3A_267 = vector.broadcast %broadcast_in_dim3A_266 : i32 to vector<16xi32>
      %gather3A_268 = tpu.vector_load_idx %arg6[%add3A_16, %broadcast_in_dim3A_267] : memref<512x128xf32, #tpu.memory_space<vmem>>[vector<16xi32>, vector<16xi32>], vector<16xf32>,
      %mul3A_269 = arith.constant 16 : i32
      %mul3A_270 = arith.muli %scan3A_12, %mul3A_269 : i32
      %swap3A_271 = arith.constant 28 : i32
      %swap3A_272 = arith.index_cast %swap3A_271 : i32 to index
      %swap3A_273 = arith.index_cast %mul3A_270 : i32 to index
      %swap3A_274 = tpu.vector_load %arg7[%swap3A_272, %swap3A_273] {strides = array<i32>} : memref<32x512xf32, #tpu.memory_space<vmem>>, vector<16xf32>,
      tpu.vector_store %arg7[%swap3A_272, %swap3A_273], %gather3A_268 {strides = array<i32>} : memref<32x512xf32, #tpu.memory_space<vmem>>, vector<16xf32>,
      %broadcast_in_dim3A_275 = arith.constant 29 : i32
      %broadcast_in_dim3A_276 = vector.broadcast %broadcast_in_dim3A_275 : i32 to vector<16xi32>
      %gather3A_277 = tpu.vector_load_idx %arg6[%add3A_16, %broadcast_in_dim3A_276] : memref<512x128xf32, #tpu.memory_space<vmem>>[vector<16xi32>, vector<16xi32>], vector<16xf32>,
      %mul3A_278 = arith.constant 16 : i32
      %mul3A_279 = arith.muli %scan3A_12, %mul3A_278 : i32
      %swap3A_280 = arith.constant 29 : i32
      %swap3A_281 = arith.index_cast %swap3A_280 : i32 to index
      %swap3A_282 = arith.index_cast %mul3A_279 : i32 to index
      %swap3A_283 = tpu.vector_load %arg7[%swap3A_281, %swap3A_282] {strides = array<i32>} : memref<32x512xf32, #tpu.memory_space<vmem>>, vector<16xf32>,
      tpu.vector_store %arg7[%swap3A_281, %swap3A_282], %gather3A_277 {strides = array<i32>} : memref<32x512xf32, #tpu.memory_space<vmem>>, vector<16xf32>,
      %broadcast_in_dim3A_284 = arith.constant 30 : i32
      %broadcast_in_dim3A_285 = vector.broadcast %broadcast_in_dim3A_284 : i32 to vector<16xi32>
      %gather3A_286 = tpu.vector_load_idx %arg6[%add3A_16, %broadcast_in_dim3A_285] : memref<512x128xf32, #tpu.memory_space<vmem>>[vector<16xi32>, vector<16xi32>], vector<16xf32>,
      %mul3A_287 = arith.constant 16 : i32
      %mul3A_288 = arith.muli %scan3A_12, %mul3A_287 : i32
      %swap3A_289 = arith.constant 30 : i32
      %swap3A_290 = arith.index_cast %swap3A_289 : i32 to index
      %swap3A_291 = arith.index_cast %mul3A_288 : i32 to index
      %swap3A_292 = tpu.vector_load %arg7[%swap3A_290, %swap3A_291] {strides = array<i32>} : memref<32x512xf32, #tpu.memory_space<vmem>>, vector<16xf32>,
      tpu.vector_store %arg7[%swap3A_290, %swap3A_291], %gather3A_286 {strides = array<i32>} : memref<32x512xf32, #tpu.memory_space<vmem>>, vector<16xf32>,
      %broadcast_in_dim3A_293 = arith.constant 31 : i32
      %broadcast_in_dim3A_294 = vector.broadcast %broadcast_in_dim3A_293 : i32 to vector<16xi32>
      %gather3A_295 = tpu.vector_load_idx %arg6[%add3A_16, %broadcast_in_dim3A_294] : memref<512x128xf32, #tpu.memory_space<vmem>>[vector<16xi32>, vector<16xi32>], vector<16xf32>,
      %mul3A_296 = arith.constant 16 : i32
      %mul3A_297 = arith.muli %scan3A_12, %mul3A_296 : i32
      %swap3A_298 = arith.constant 31 : i32
      %swap3A_299 = arith.index_cast %swap3A_298 : i32 to index
      %swap3A_300 = arith.index_cast %mul3A_297 : i32 to index
      %swap3A_301 = tpu.vector_load %arg7[%swap3A_299, %swap3A_300] {strides = array<i32>} : memref<32x512xf32, #tpu.memory_space<vmem>>, vector<16xf32>,
      tpu.vector_store %arg7[%swap3A_299, %swap3A_300], %gather3A_295 {strides = array<i32>} : memref<32x512xf32, #tpu.memory_space<vmem>>, vector<16xf32>,
    }
    %scan3A_11 = arith.constant 32 : i32
    "tpu.region"() ({
      %run_scoped3A = tpu.sem_alloc : memref<!tpu.dma_semaphore, #tpu.memory_space<semaphore_mem>>
      %dma_start3A_12 = arith.constant 0 : i32
      %dma_start3A_13 = tpu.memref_slice %arg4[%dma_start3A_12, %mul3A_2] : memref<32x16384xf32, #tpu.memory_space<hbm>> -> memref<32x512xf32, #tpu.memory_space<hbm>>
      %dma_start3A_14 = arith.constant 0 : i32
      %dma_start3A_15 = tpu.memref_slice %arg4[%dma_start3A_14, %mul3A_2] : memref<32x16384xf32, #tpu.memory_space<hbm>> -> memref<32x512xf32, #tpu.memory_space<hbm>>
      tpu.enqueue_dma source(%arg7 : memref<32x512xf32, #tpu.memory_space<vmem>>) target(%dma_start3A_15 : memref<32x512xf32, #tpu.memory_space<hbm>>) target_semaphore(%run_scoped3A : memref<!tpu.dma_semaphore, #tpu.memory_space<semaphore_mem>>)
      %dma_wait3A_16 = arith.constant 0 : i32
      %dma_wait3A_17 = tpu.memref_slice %arg4[%dma_wait3A_16, %mul3A_2] : memref<32x16384xf32, #tpu.memory_space<hbm>> -> memref<32x512xf32, #tpu.memory_space<hbm>>
      %dma_wait3A_18 = arith.constant 0 : i32
      %dma_wait3A_19 = tpu.memref_slice %arg4[%dma_wait3A_18, %mul3A_2] : memref<32x16384xf32, #tpu.memory_space<hbm>> -> memref<32x512xf32, #tpu.memory_space<hbm>>
      tpu.wait_dma2 semaphore(%run_scoped3A : memref<!tpu.dma_semaphore, #tpu.memory_space<semaphore_mem>>) src(%arg7 : memref<32x512xf32, #tpu.memory_space<vmem>>) dst(%dma_wait3A_19 : memref<32x512xf32, #tpu.memory_space<hbm>>)
      tpu.yield
    }) : () -> ()
    return
  }
}

</mosaic_0001>

<sc_bundles>
// kernel: kernel.3.cloned.1.call-start
scs
__scs_entry_jumppad:
0x0: {  	(pc) =	sbr.rel $0x88, $3  }
0x1: {  	(tag) =	ssettag $0x0;
	lr =	simm.s32 $0x1  }
0x2: {  	[smem:$0x3F9F] =	sst lr;
	_ =	strace $0xD0000000  }
0x3: {  	_ = 	snop  }
0x4: {  	_ = 	snop  }
0x5: {  	_ = 	snop  }
0x6: {  	_ = 	snop  }
0x7: {  	_ = 	snop  }
__scs_overlays_trampoline_lowered:
0x8: {  	[smem:$0x3FAE] =	sst s0  }
0x9: {  	[smem:$0x3FAF] =	sst s1  }
0xa: {  	[smem:$0x3FB0] =	sst s2  }
0xb: {  	[smem:$0x3FB1] =	sst s3  }
0xc: {  	[smem:$0x3FB2] =	sst s4  }
0xd: {  	[smem:$0x3FB3] =	sst s5  }
0xe: {  	[smem:$0x3FB4] =	sst s6  }
0xf: {  	[smem:$0x3FB5] =	sst s7  }
0x10: {  	[smem:$0x3FB6] =	sst s8  }
0x11: {  	[smem:$0x3FB7] =	sst s9;
	s0 =	simm.s32 @!p0 $0x0  }
0x12: {  	s1 =	sld [smem:$0x3F9D];
	s0 =	simm.s32 @p0 $0x1  }
0x13: {  	[smem:$0x3FB8] =	sst s0;
	s0 =	simm.s32 @!p1 $0x0  }
0x14: {  	s2 =	sld [smem:$0x3F9C];
	s0 =	simm.s32 @p1 $0x1  }
0x15: {  	[smem:$0x3FB9] =	sst s0;
	s0 =	simm.s32 @!p2 $0x0  }
0x16: {  	s3 =	sld [smem:$0x3FDB];
	s0 =	simm.s32 @p2 $0x1  }
0x17: {  	s4 =	simm.s32 $0x1BF5;
	[smem:$0x3FBB] =	sst s0  }
0x18: {  	s0 =	sld [smem:$0x3F9E];
	_ =	swait.ge [sflag:s4], $0x0  }
0x19: {  	s7 =	sld [smem:$0x3F9F]  }
0x1a: {  	s8 =	sadd.s32 $0xFFFFE003, lr  }
0x1b: {  	s9 =	sadd.s32 $0xFFFFFEF7, lr;
	s5 =	simm.s32 $0xFFFFFFFF;
	p2 =	slt.u32 s8, $0xFFFFF086  }
0x1c: {  	p1 =	slt.u32 s9, $0xF7A;
	s5 =	simm.s32 @!p2 $0x0  }
0x1d: {  	s5 =	simm.s32 @p1 $0x1;
	p0 =	seq.s32 s7, s2  }
0x1e: {  	s7 =	smul.u32 @!p0 $0xF7A, s2;
	p2 =	seq.s32 @!p0 s5, $0x0  }
0x1f: {  	s9 =	smul.u32 $0xF7A, s1;
	s8 =	simm.s32 @!p0 $0x1BF5;
	p2 =	por !p2, p0  }
0x20: {  	[sflag:s8] =	ssyncset.s32 @!p0 $0xFFFFF086;
	s6 =	sadd.s32 @!p0 s3, s7;
	s7 =	simm.s32 @!p0 $0x108  }
0x21: {  	s3 =	sadd.s32 s3, s9;
	s6 =	sadd.s32 @!p0 $0x88, s6;
	s7 =	simm.s32 @p2 $0x1082  }
0x22: {  	[simem:s7], [sflag:s8] =	dma.local @!p0 [hbm:s6], $0xF7A  }
0x23: {  	s9 =	sor.u32 $0xD0000000, s2;
	s6 =	simm.s32 $0x108;
	_ =	swait.ge @!p0 [sflag:s8], $0x0  }
0x24: {  	s3 =	sadd.s32 $0x88, s3;
	s6 =	simm.s32 @!p1 $0x1082;
	[sflag:s4] =	ssyncset.s32 $0xFFFFF086  }
0x25: {  	[simem:s6], [sflag:s4] =	dma.local [hbm:s3], $0xF7A  }
0x26: {  	[smem:$0x3F9F] =	sst s1;
	(tag) =	ssettag s2;
	_ =	strace s9  }
0x27: {  	s1 =	sld [smem:$0x3FAF]  }
0x28: {  	s2 =	sld [smem:$0x3FB0]  }
0x29: {  	s4 =	sld [smem:$0x3FB2]  }
0x2a: {  	p0 =	seq.s32 s5, $0x0;
	s5 =	sld [smem:$0x3FB3]  }
0x2b: {  	s6 =	sld [smem:$0x3FB4]  }
0x2c: {  	s7 =	sld [smem:$0x3FB5]  }
0x2d: {  	s3 =	simm.s32 $0x108;
	s8 =	sld [smem:$0x3FB6]  }
0x2e: {  	s3 =	simm.s32 @!p0 $0x1082;
	s9 =	sld [smem:$0x3FB7]  }
0x2f: {  	lr =	sadd.s32 s0, s3;
	s0 =	sld [smem:$0x3FAE]  }
0x30: {  	s3 =	sld [smem:$0x3FB1]  }
0x31: {  	[smem:$0x3FBA] =	sst s10  }
0x32: {  	s10 =	sld [smem:$0x3FB8];
	_ =	sdelay $0x3  }
0x33: {  	p0 =	seq.s32 s10, $0x1;
	s10 =	sld [smem:$0x3FBA];
	_ =	sdelay $0x3  }
0x34: {  	[smem:$0x3FBA] =	sst s10  }
0x35: {  	s10 =	sld [smem:$0x3FB9];
	_ =	sdelay $0x3  }
0x36: {  	p1 =	seq.s32 s10, $0x1;
	s10 =	sld [smem:$0x3FBA];
	_ =	sdelay $0x3  }
0x37: {  	[smem:$0x3FBA] =	sst s10  }
0x38: {  	s10 =	sld [smem:$0x3FBB]  }
0x39: {  	_ = 	snop;
	(pc) =	sbr.ind lr, $3  }
0x3a: {  	_ = 	snop  }
0x3b: {  	_ = 	snop  }
0x3c: {  	p2 =	seq.s32 s10, $0x1;
	s10 =	sld [smem:$0x3FBA]  }
0x3d: {  	_ =	shalt  }
0x3e: {  	_ =	shalt  }
0x3f: {  	_ =	shalt  }
0x40: {  	_ =	shalt  }
0x41: {  	_ =	shalt  }
0x42: {  	_ =	shalt  }
0x43: {  	_ =	shalt  }
0x44: {  	_ =	shalt  }
0x45: {  	_ =	shalt  }
0x46: {  	_ =	shalt  }
0x47: {  	_ =	shalt  }
0x48: {  	_ =	shalt  }
0x49: {  	_ =	shalt  }
0x4a: {  	_ =	shalt  }
0x4b: {  	_ =	shalt  }
0x4c: {  	_ =	shalt  }
0x4d: {  	_ =	shalt  }
0x4e: {  	_ =	shalt  }
0x4f: {  	_ =	shalt  }
0x50: {  	_ =	shalt  }
0x51: {  	_ =	shalt  }
0x52: {  	_ =	shalt  }
0x53: {  	_ =	shalt  }
0x54: {  	_ =	shalt  }
0x55: {  	_ =	shalt  }
0x56: {  	_ =	shalt  }
0x57: {  	_ =	shalt  }
0x58: {  	_ =	shalt  }
0x59: {  	_ =	shalt  }
0x5a: {  	_ =	shalt  }
0x5b: {  	_ =	shalt  }
0x5c: {  	_ =	shalt  }
0x5d: {  	_ =	shalt  }
0x5e: {  	_ =	shalt  }
0x5f: {  	_ =	shalt  }
0x60: {  	_ =	shalt  }
0x61: {  	_ =	shalt  }
0x62: {  	_ =	shalt  }
0x63: {  	_ =	shalt  }
0x64: {  	_ =	shalt  }
0x65: {  	_ =	shalt  }
0x66: {  	_ =	shalt  }
0x67: {  	_ =	shalt  }
0x68: {  	_ =	shalt  }
0x69: {  	_ =	shalt  }
0x6a: {  	_ =	shalt  }
0x6b: {  	_ =	shalt  }
0x6c: {  	_ =	shalt  }
0x6d: {  	_ =	shalt  }
0x6e: {  	_ =	shalt  }
0x6f: {  	_ =	shalt  }
0x70: {  	_ =	shalt  }
0x71: {  	_ =	shalt  }
0x72: {  	_ =	shalt  }
0x73: {  	_ =	shalt  }
0x74: {  	_ =	shalt  }
0x75: {  	_ =	shalt  }
0x76: {  	_ =	shalt  }
0x77: {  	_ =	shalt  }
0x78: {  	_ =	shalt  }
0x79: {  	_ =	shalt  }
0x7a: {  	_ =	shalt  }
0x7b: {  	_ =	shalt  }
0x7c: {  	_ =	shalt  }
0x7d: {  	_ =	shalt  }
0x7e: {  	_ =	shalt  }
0x7f: {  	_ =	shalt  }
0x80: {  	_ =	shalt  }
0x81: {  	_ =	shalt  }
0x82: {  	_ =	shalt  }
0x83: {  	_ =	shalt  }
0x84: {  	_ =	shalt  }
0x85: {  	_ =	shalt  }
0x86: {  	_ =	shalt  }
0x87: {  	_ =	shalt  }
.Lfunc_end0:
.L_simem_size_0:
called_computation_lowered:
.L_overlay_start_0:
0x88: {  	s2 =	sld [smem:$0x3FD9]  }
0x89: {  	s3 =	sld [smem:$0x3FFE];
	_ =	sdelay $0x1  }
0x8a: {  	s1 =	srdreg.scid  }
0x8b: {  	s0 =	sand.u32 $0x1, s1  }
0x8c: {  	s17 =	sshll.u32 s0, $0xA;
	s2 =	sadd.s32 s3, s2  }
0x8d: {  	s2 =	sadd.s32 s2, s17  }
0x8e: {  	[smem:$0x3FC6] =	sst s2  }
0x8f: {  	_ = 	snop  }
0x90: {  	s2 =	sld [smem:$0x3FC9]  }
0x91: {  	s18 =	sld [smem:$0x3FD0];
	(tm) =	ssettm $0x1  }
0x92: {  	s4 =	sld [smem:$0x3FFB];
	_ =	sdelay $0x3  }
0x93: {  	_ =	strace s4  }
0x94: {  	s4 =	sld [smem:$0x3FFC];
	_ =	sdelay $0x3  }
0x95: {  	_ =	strace s4  }
0x96: {  	s4 =	sld [smem:$0x3FFD];
	_ =	sdelay $0x3  }
0x97: {  	_ =	strace s4  }
0x98: {  	_ =	strace $0x8FFFFFFF  }
0x99: {  	s19 =	sld [smem:$0x3FDB];
	_ =	sdelay $0x1  }
0x9a: {  	s5 =	simm.s32 $_scs_section_size  }
0x9b: {  	s6 =	simm.s32 $_size__tile_overlayer_lowered;
	s7 =	simm.s32 $_tile_overlayer_lowered  }
0x9c: {  	s22 =	simm.s32 $0x1BFF;
	s21 =	sshll.u32 s7, $0x1;
	s4 =	sadd.s32 s5, s19  }
0x9d: {  	s8 =	simm.s32 $0x0;
	s20 =	sshll.u32 s6, $0x1;
	s6 =	sadd.s32 s21, s4  }
0x9e: {  	[timem:s8], [sflag:s22] =	dma.local [hbm:s6], s20  }
0x9f: {  	_ =	swait.ge [sflag:s22], s20  }
0xa0: {  	s5 =	ssub.s32 $0x0, s20;
	[sflag:s22] =	ssyncset.done $0x0  }
0xa1: {  	[sflag:s22] =	ssyncadd.s32 s5;
	_ =	sdelay $0x1  }
0xa2: {  	s23 =	simm.s32 $0x1B8B  }
0xa3: {  	_ =	swait.ge [sflag:s23], $0x1  }
0xa4: {  	[sflag:s23] =	ssyncset.done $0x0  }
0xa5: {  	s25 =	simm.s32 $0x1B8E;
	s24 =	sld [smem:$0x3FFE];
	[sflag:s23] =	ssyncadd.s32 $0xFFFFFFFF  }
0xa6: {  	s26 =	simm.s32 $execute0_lowered;
	[smem:$0x3FD2] =	sst s25  }
0xa7: {  	s6 =	sshll.u32 s26, $0x1;
	_ =	strace $0x80000046;
	[dreg:$0x1] =	wrdreg $0xFFFFFFFF  }
0xa8: {  	s28 =	simm.s32 $_size_execute0_lowered;
	s4 =	sadd.s32 s4, s6;
	[dreg:$0x0] =	wrdreg $0x0  }
0xa9: {  	s6 =	sshll.u32 s28, $0x1;
	[dreg:$0x2] =	wrdreg s4  }
0xaa: {  	[dreg:$0x3] =	wrdreg s6  }
0xab: {  	[dreg:$0x4] =	wrdreg $0xC0  }
0xac: {  	_ =	task [dreg:s8], $0x5FFFF  }
0xad: {  	[dreg:$0x1] =	wrdreg $0xFFFFFFFF  }
0xae: {  	[dreg:$0x0] =	wrdreg $0x60  }
0xaf: {  	[dreg:$0x2] =	wrdreg s2  }
0xb0: {  	[dreg:$0x3] =	wrdreg s24  }
0xb1: {  	[dreg:$0x4] =	wrdreg s18  }
0xb2: {  	[dreg:$0x5] =	wrdreg $0x9  }
0xb3: {  	_ =	task.clear_ibuf [dreg:s8], $0x6FFFF;
	_ =	strace $0x90000046  }
0xb4: {  	s29 =	simm.s32 $0x9;
	_ =	strace $0x80000048  }
0xb5: {  	_ =	swait.ge [sflag:s29], $0x1  }
0xb6: {  	[sflag:s29] =	ssyncadd.s32 $0xFFFFFFFF  }
0xb7: {  	_ =	strace $0x90000048  }
0xb8: {  	_ =	sfence  }
0xb9: {  	s30 =	sld [smem:$0x0];
	_ =	sdelay $0x2  }
0xba: {  	s31 =	sshll.u32 s1, $0xD;
	s1 =	sshrl.u32 s1, $0x2  }
0xbb: {  	s3 =	sand.u32 $0x4000, s31;
	s1 =	sadd.s32 s1, s30  }
0xbc: {  	s0 =	sor.u32 s3, s0;
	s1 =	sshll.u32 s1, $0x11  }
0xbd: {  	s0 =	sor.u32 s1, s0  }
0xbe: {  	s0 =	sadd.s32 $0x8F2B, s0  }
0xbf: {  	[sflag:s0] =	ssyncadd.remote.s32 $0x1  }
0xc0: {  	_ =	sfence.sel $0xFFFF  }
0xc1: {  	[dreg:$0x0] =	wrdreg $0xFFFFFFFF;
	(pc) =	sbr.abs _section_cstart, $3  }
0xc2: {  	[dreg:$0x1] =	wrdreg $0xFFFFFFFF  }
0xc3: {  	_ =	task.clear_ibuf [dreg:s8], $0x2FFFF;
	_ =	strace $0x9FFFFFFF  }
0xc4: {  	(tm) =	ssettm $0x7FFFFFFF  }
0xc5: {  	_ =	shalt  }
tec
execute0_lowered:
.L_overlay_start_1:
0x0: {  	(tag) =	ssettag $0x1  }
0x1: {  	s4 =	rddreg [dreg:$0x0]  }
0x2: {  	s3 =	rddreg [dreg:$0x1]  }
0x3: {  	s5 =	rddreg [dreg:$0x2];
	s2 =	srdreg.scid  }
0x4: {  	s0 =	rddreg [dreg:$0x3];
	s1 =	stileid.u32;
	s10 =	simm.s32 $0x1000  }
0x5: {  	s11 =	simm.s32 $0x20000;
	s12 =	simm.s32 $0x10200;
	s13 =	simm.s32 $0x0  }
0x6: {  	s6 =	sand.u32 $0x1, s2;
	s2 =	simm.s32 $0x0;
	s7 =	sshll.u32 s1, $0xA  }
0x7: {  	s3 =	sadd.s32 $0xF42800, s3;
	s8 =	sshll.u32 s6, $0x9;
	[smem:$0x7FF] =	sst s2  }
0x8: {  	s6 =	ssub.s32 $0x2, s6;
	s7 =	sor.u32 s8, s7;
	_ =	strace $0x80000047  }
0x9: {  	s31 =	sshrl.u32 s6, $0x1;
	s8 =	simm.s32 $0x200;
	s9 =	sshrl.u32 s7, $0x3  }
0xa: {  	v0 =	vlaneseq.u32;
	s6 =	ssub.s32 s6, s31;
	s5 =	sadd.s32 s5, s7;
	s7 =	simm.s32 $0x2  }
0xb: {  	v0 =	vmul.u32 $0x80, v0;
	s4 =	sadd.s32 s4, s9;
	s6 =	smax.u32 s6, $0x1;
	s9 =	simm.s32 $0x1  }
.LBB2_1:
0xc: {  	[tilespmem:s2], [sflag:$0x2] =	stream.linear.gather [hbm4b:s4+s2], $0x200, $0x38;
	[tilespmem:$0x14200] =	vst v63  }
0xd: {  	v1 =	vmov s2;
	_ =	swait.ge [sflag:s7], $0x200  }
0xe: {  	v1 =	vshll.u32 v1, $0x7;
	[sflag:s7] =	ssyncset.done $0x0  }
0xf: {  	v1 =	vor.u32 v0, v1;
	[sflag:s7] =	ssyncadd.s32 $0xFFFFFE00  }
0x10: {  	[tilespmem:s8], [sflag:$0x1] =	stream.indirect.gather [hbm4b:s3+s8], $0x80, s2, s8, $0xb8;
	[tilespmem:$0x14200] =	vst v63  }
0x11: {  	_ =	swait.ge [sflag:s9], $0x10000  }
0x12: {  	[sflag:s9] =	ssyncset.done $0x0  }
0x13: {  	[sflag:s9] =	ssyncadd.s32 $0xFFFF0000  }
0x14: {  	v2 =	vld.idx.msk [tilespmem:v1+s8+$0x0], $0xffff  }
0x15: {  	v3 =	vor.u32 $0x1, v1;
	_ =	sdelay $0x1  }
0x16: {  	s14 =	sand.u32 $0x70, s2;
	s15 =	sand.u32 $0xC00, s2  }
0x17: {  	s14 =	sor.u32 s14, s15  }
0x18: {  	[tilespmem:s14+$0x10200] =	vst v2  }
0x19: {  	v2 =	vld.idx.msk [tilespmem:v3+s8+$0x0], $0xffff  }
0x1a: {  	v3 =	vor.u32 $0x2, v1;
	_ =	sdelay $0x3  }
0x1b: {  	[tilespmem:s14+$0x10280] =	vst v2  }
0x1c: {  	v2 =	vld.idx.msk [tilespmem:v3+s8+$0x0], $0xffff  }
0x1d: {  	v3 =	vor.u32 $0x3, v1;
	_ =	sdelay $0x3  }
0x1e: {  	[tilespmem:s14+$0x10300] =	vst v2  }
0x1f: {  	v2 =	vld.idx.msk [tilespmem:v3+s8+$0x0], $0xffff  }
0x20: {  	v3 =	vor.u32 $0x4, v1;
	_ =	sdelay $0x3  }
0x21: {  	[tilespmem:s14+$0x10380] =	vst v2  }
0x22: {  	v2 =	vld.idx.msk [tilespmem:v3+s8+$0x0], $0xffff  }
0x23: {  	v3 =	vor.u32 $0x5, v1;
	_ =	sdelay $0x3  }
0x24: {  	[tilespmem:s14+$0x10400] =	vst v2  }
0x25: {  	v2 =	vld.idx.msk [tilespmem:v3+s8+$0x0], $0xffff  }
0x26: {  	v3 =	vor.u32 $0x6, v1;
	_ =	sdelay $0x3  }
0x27: {  	[tilespmem:s14+$0x10480] =	vst v2  }
0x28: {  	v2 =	vld.idx.msk [tilespmem:v3+s8+$0x0], $0xffff  }
0x29: {  	v3 =	vor.u32 $0x7, v1;
	_ =	sdelay $0x3  }
0x2a: {  	[tilespmem:s14+$0x10500] =	vst v2  }
0x2b: {  	v2 =	vld.idx.msk [tilespmem:v3+s8+$0x0], $0xffff  }
0x2c: {  	v3 =	vor.u32 $0x8, v1;
	_ =	sdelay $0x1  }
0x2d: {  	s31 =	sor.u32 s2, s2  }
0x2e: {  	s15 =	sor.u32 $0x380, s31  }
0x2f: {  	[tilespmem:s15+$0x10200] =	vst v2  }
0x30: {  	v2 =	vld.idx.msk [tilespmem:v3+s8+$0x0], $0xffff  }
0x31: {  	v3 =	vor.u32 $0x9, v1;
	_ =	sdelay $0x3  }
0x32: {  	[tilespmem:s14+$0x11200] =	vst v2  }
0x33: {  	v2 =	vld.idx.msk [tilespmem:v3+s8+$0x0], $0xffff  }
0x34: {  	v3 =	vor.u32 $0xA, v1;
	_ =	sdelay $0x3  }
0x35: {  	[tilespmem:s14+$0x11280] =	vst v2  }
0x36: {  	v2 =	vld.idx.msk [tilespmem:v3+s8+$0x0], $0xffff  }
0x37: {  	v3 =	vor.u32 $0xB, v1;
	_ =	sdelay $0x3  }
0x38: {  	[tilespmem:s14+$0x11300] =	vst v2  }
0x39: {  	v2 =	vld.idx.msk [tilespmem:v3+s8+$0x0], $0xffff  }
0x3a: {  	v3 =	vor.u32 $0xC, v1;
	_ =	sdelay $0x3  }
0x3b: {  	[tilespmem:s14+$0x11380] =	vst v2  }
0x3c: {  	v2 =	vld.idx.msk [tilespmem:v3+s8+$0x0], $0xffff  }
0x3d: {  	v3 =	vor.u32 $0xD, v1;
	_ =	sdelay $0x3  }
0x3e: {  	[tilespmem:s14+$0x11400] =	vst v2  }
0x3f: {  	v2 =	vld.idx.msk [tilespmem:v3+s8+$0x0], $0xffff  }
0x40: {  	v3 =	vor.u32 $0xE, v1;
	_ =	sdelay $0x3  }
0x41: {  	[tilespmem:s14+$0x11480] =	vst v2  }
0x42: {  	v2 =	vld.idx.msk [tilespmem:v3+s8+$0x0], $0xffff  }
0x43: {  	v3 =	vor.u32 $0xF, v1;
	_ =	sdelay $0x3  }
0x44: {  	[tilespmem:s14+$0x11500] =	vst v2  }
0x45: {  	v2 =	vld.idx.msk [tilespmem:v3+s8+$0x0], $0xffff  }
0x46: {  	v3 =	vor.u32 $0x10, v1;
	_ =	sdelay $0x3  }
0x47: {  	[tilespmem:s14+$0x11580] =	vst v2  }
0x48: {  	v2 =	vld.idx.msk [tilespmem:v3+s8+$0x0], $0xffff  }
0x49: {  	v3 =	vor.u32 $0x11, v1;
	_ =	sdelay $0x3  }
0x4a: {  	[tilespmem:s14+$0x12200] =	vst v2  }
0x4b: {  	v2 =	vld.idx.msk [tilespmem:v3+s8+$0x0], $0xffff  }
0x4c: {  	v3 =	vor.u32 $0x12, v1;
	_ =	sdelay $0x3  }
0x4d: {  	[tilespmem:s14+$0x12280] =	vst v2  }
0x4e: {  	v2 =	vld.idx.msk [tilespmem:v3+s8+$0x0], $0xffff  }
0x4f: {  	v3 =	vor.u32 $0x13, v1;
	_ =	sdelay $0x3  }
0x50: {  	[tilespmem:s14+$0x12300] =	vst v2  }
0x51: {  	v2 =	vld.idx.msk [tilespmem:v3+s8+$0x0], $0xffff  }
0x52: {  	v3 =	vor.u32 $0x14, v1;
	_ =	sdelay $0x3  }
0x53: {  	[tilespmem:s14+$0x12380] =	vst v2  }
0x54: {  	v2 =	vld.idx.msk [tilespmem:v3+s8+$0x0], $0xffff  }
0x55: {  	v3 =	vor.u32 $0x15, v1;
	_ =	sdelay $0x3  }
0x56: {  	[tilespmem:s14+$0x12400] =	vst v2  }
0x57: {  	v2 =	vld.idx.msk [tilespmem:v3+s8+$0x0], $0xffff  }
0x58: {  	v3 =	vor.u32 $0x16, v1;
	_ =	sdelay $0x3  }
0x59: {  	[tilespmem:s14+$0x12480] =	vst v2  }
0x5a: {  	v2 =	vld.idx.msk [tilespmem:v3+s8+$0x0], $0xffff  }
0x5b: {  	v3 =	vor.u32 $0x17, v1;
	_ =	sdelay $0x3  }
0x5c: {  	[tilespmem:s14+$0x12500] =	vst v2  }
0x5d: {  	v2 =	vld.idx.msk [tilespmem:v3+s8+$0x0], $0xffff  }
0x5e: {  	v3 =	vor.u32 $0x18, v1;
	_ =	sdelay $0x3  }
0x5f: {  	[tilespmem:s14+$0x12580] =	vst v2  }
0x60: {  	v2 =	vld.idx.msk [tilespmem:v3+s8+$0x0], $0xffff  }
0x61: {  	v3 =	vor.u32 $0x19, v1;
	_ =	sdelay $0x3  }
0x62: {  	[tilespmem:s14+$0x13200] =	vst v2  }
0x63: {  	v2 =	vld.idx.msk [tilespmem:v3+s8+$0x0], $0xffff  }
0x64: {  	v3 =	vor.u32 $0x1A, v1;
	_ =	sdelay $0x3  }
0x65: {  	[tilespmem:s14+$0x13280] =	vst v2  }
0x66: {  	v2 =	vld.idx.msk [tilespmem:v3+s8+$0x0], $0xffff  }
0x67: {  	v3 =	vor.u32 $0x1B, v1;
	_ =	sdelay $0x3  }
0x68: {  	[tilespmem:s14+$0x13300] =	vst v2  }
0x69: {  	v2 =	vld.idx.msk [tilespmem:v3+s8+$0x0], $0xffff  }
0x6a: {  	v3 =	vor.u32 $0x1C, v1;
	_ =	sdelay $0x3  }
0x6b: {  	[tilespmem:s14+$0x13380] =	vst v2  }
0x6c: {  	v2 =	vld.idx.msk [tilespmem:v3+s8+$0x0], $0xffff  }
0x6d: {  	v3 =	vor.u32 $0x1D, v1;
	_ =	sdelay $0x3  }
0x6e: {  	[tilespmem:s14+$0x13400] =	vst v2  }
0x6f: {  	v2 =	vld.idx.msk [tilespmem:v3+s8+$0x0], $0xffff  }
0x70: {  	v3 =	vor.u32 $0x1E, v1;
	_ =	sdelay $0x3  }
0x71: {  	[tilespmem:s14+$0x13480] =	vst v2  }
0x72: {  	v2 =	vld.idx.msk [tilespmem:v3+s8+$0x0], $0xffff  }
0x73: {  	v3 =	vor.u32 $0x1F, v1;
	_ =	sdelay $0x3  }
0x74: {  	s15 =	simm.s32 $0x10;
	[tilespmem:s14+$0x13500] =	vst v2  }
0x75: {  	s17 =	simm.s32 $0x20;
	s16 =	simm.s32 $0x0;
	v1 =	vmov s15;
	v2 =	vld.idx.msk [tilespmem:v3+s8+$0x0], $0xffff  }
.LBB2_2:
0x76: {  	p0 =	sne.s32 s17, $0x1F0;
	v1 =	vshll.u32 v1, $0x7  }
0x77: {  	v1 =	vor.u32 v0, v1;
	_ =	sdelay $0x3  }
0x78: {  	[tilespmem:s14+$0x13580] =	vst v2  }
0x79: {  	v2 =	vld.idx.msk [tilespmem:v1+s8+$0x0], $0xffff;
	_ =	sdelay $0x1  }
0x7a: {  	v3 =	vor.u32 $0x1, v1  }
0x7b: {  	s16 =	sadd.s32 $0x80, s16  }
0x7c: {  	s18 =	sand.u32 $0xC00, s16;
	s14 =	sand.u32 $0x70, s15  }
0x7d: {  	s14 =	sor.u32 s14, s18  }
0x7e: {  	[tilespmem:s14+$0x10200] =	vst v2  }
0x7f: {  	v2 =	vld.idx.msk [tilespmem:v3+s8+$0x0], $0xffff;
	_ =	sdelay $0x1  }
0x80: {  	v3 =	vor.u32 $0x2, v1;
	_ =	sdelay $0x3  }
0x81: {  	[tilespmem:s14+$0x10280] =	vst v2  }
0x82: {  	v2 =	vld.idx.msk [tilespmem:v3+s8+$0x0], $0xffff;
	_ =	sdelay $0x1  }
0x83: {  	v3 =	vor.u32 $0x3, v1;
	_ =	sdelay $0x3  }
0x84: {  	[tilespmem:s14+$0x10300] =	vst v2  }
0x85: {  	v2 =	vld.idx.msk [tilespmem:v3+s8+$0x0], $0xffff;
	_ =	sdelay $0x1  }
0x86: {  	v3 =	vor.u32 $0x4, v1;
	_ =	sdelay $0x3  }
0x87: {  	[tilespmem:s14+$0x10380] =	vst v2  }
0x88: {  	v2 =	vld.idx.msk [tilespmem:v3+s8+$0x0], $0xffff;
	_ =	sdelay $0x1  }
0x89: {  	v3 =	vor.u32 $0x5, v1;
	_ =	sdelay $0x3  }
0x8a: {  	[tilespmem:s14+$0x10400] =	vst v2  }
0x8b: {  	v2 =	vld.idx.msk [tilespmem:v3+s8+$0x0], $0xffff;
	_ =	sdelay $0x1  }
0x8c: {  	v3 =	vor.u32 $0x6, v1;
	_ =	sdelay $0x3  }
0x8d: {  	[tilespmem:s14+$0x10480] =	vst v2  }
0x8e: {  	v2 =	vld.idx.msk [tilespmem:v3+s8+$0x0], $0xffff;
	_ =	sdelay $0x1  }
0x8f: {  	v3 =	vor.u32 $0x7, v1;
	_ =	sdelay $0x3  }
0x90: {  	[tilespmem:s14+$0x10500] =	vst v2  }
0x91: {  	v2 =	vld.idx.msk [tilespmem:v3+s8+$0x0], $0xffff;
	_ =	sdelay $0x1  }
0x92: {  	v3 =	vor.u32 $0x8, v1;
	_ =	sdelay $0x1  }
0x93: {  	s18 =	sor.u32 s16, s15;
	s15 =	smov.u32 s17  }
0x94: {  	s18 =	sor.u32 $0x380, s18  }
0x95: {  	[tilespmem:s18+$0x10200] =	vst v2  }
0x96: {  	v2 =	vld.idx.msk [tilespmem:v3+s8+$0x0], $0xffff;
	_ =	sdelay $0x1  }
0x97: {  	v3 =	vor.u32 $0x9, v1;
	_ =	sdelay $0x3  }
0x98: {  	[tilespmem:s14+$0x11200] =	vst v2  }
0x99: {  	v2 =	vld.idx.msk [tilespmem:v3+s8+$0x0], $0xffff;
	_ =	sdelay $0x1  }
0x9a: {  	v3 =	vor.u32 $0xA, v1;
	_ =	sdelay $0x3  }
0x9b: {  	[tilespmem:s14+$0x11280] =	vst v2  }
0x9c: {  	v2 =	vld.idx.msk [tilespmem:v3+s8+$0x0], $0xffff;
	_ =	sdelay $0x1  }
0x9d: {  	v3 =	vor.u32 $0xB, v1;
	_ =	sdelay $0x3  }
0x9e: {  	[tilespmem:s14+$0x11300] =	vst v2  }
0x9f: {  	v2 =	vld.idx.msk [tilespmem:v3+s8+$0x0], $0xffff;
	_ =	sdelay $0x1  }
0xa0: {  	v3 =	vor.u32 $0xC, v1;
	_ =	sdelay $0x3  }
0xa1: {  	[tilespmem:s14+$0x11380] =	vst v2  }
0xa2: {  	v2 =	vld.idx.msk [tilespmem:v3+s8+$0x0], $0xffff;
	_ =	sdelay $0x1  }
0xa3: {  	v3 =	vor.u32 $0xD, v1;
	_ =	sdelay $0x3  }
0xa4: {  	[tilespmem:s14+$0x11400] =	vst v2  }
0xa5: {  	v2 =	vld.idx.msk [tilespmem:v3+s8+$0x0], $0xffff;
	_ =	sdelay $0x1  }
0xa6: {  	v3 =	vor.u32 $0xE, v1;
	_ =	sdelay $0x3  }
0xa7: {  	[tilespmem:s14+$0x11480] =	vst v2  }
0xa8: {  	v2 =	vld.idx.msk [tilespmem:v3+s8+$0x0], $0xffff;
	_ =	sdelay $0x1  }
0xa9: {  	v3 =	vor.u32 $0xF, v1;
	_ =	sdelay $0x3  }
0xaa: {  	[tilespmem:s14+$0x11500] =	vst v2  }
0xab: {  	v2 =	vld.idx.msk [tilespmem:v3+s8+$0x0], $0xffff;
	_ =	sdelay $0x1  }
0xac: {  	v3 =	vor.u32 $0x10, v1;
	_ =	sdelay $0x3  }
0xad: {  	[tilespmem:s14+$0x11580] =	vst v2  }
0xae: {  	v2 =	vld.idx.msk [tilespmem:v3+s8+$0x0], $0xffff;
	_ =	sdelay $0x1  }
0xaf: {  	v3 =	vor.u32 $0x11, v1;
	_ =	sdelay $0x3  }
0xb0: {  	[tilespmem:s14+$0x12200] =	vst v2  }
0xb1: {  	v2 =	vld.idx.msk [tilespmem:v3+s8+$0x0], $0xffff;
	_ =	sdelay $0x1  }
0xb2: {  	v3 =	vor.u32 $0x12, v1;
	_ =	sdelay $0x3  }
0xb3: {  	[tilespmem:s14+$0x12280] =	vst v2  }
0xb4: {  	v2 =	vld.idx.msk [tilespmem:v3+s8+$0x0], $0xffff;
	_ =	sdelay $0x1  }
0xb5: {  	v3 =	vor.u32 $0x13, v1;
	_ =	sdelay $0x3  }
0xb6: {  	[tilespmem:s14+$0x12300] =	vst v2  }
0xb7: {  	v2 =	vld.idx.msk [tilespmem:v3+s8+$0x0], $0xffff;
	_ =	sdelay $0x1  }
0xb8: {  	v3 =	vor.u32 $0x14, v1;
	_ =	sdelay $0x3  }
0xb9: {  	[tilespmem:s14+$0x12380] =	vst v2  }
0xba: {  	v2 =	vld.idx.msk [tilespmem:v3+s8+$0x0], $0xffff;
	_ =	sdelay $0x1  }
0xbb: {  	v3 =	vor.u32 $0x15, v1;
	_ =	sdelay $0x3  }
0xbc: {  	[tilespmem:s14+$0x12400] =	vst v2  }
0xbd: {  	v2 =	vld.idx.msk [tilespmem:v3+s8+$0x0], $0xffff;
	_ =	sdelay $0x1  }
0xbe: {  	v3 =	vor.u32 $0x16, v1;
	_ =	sdelay $0x3  }
0xbf: {  	[tilespmem:s14+$0x12480] =	vst v2  }
0xc0: {  	v2 =	vld.idx.msk [tilespmem:v3+s8+$0x0], $0xffff;
	_ =	sdelay $0x1  }
0xc1: {  	v3 =	vor.u32 $0x17, v1;
	_ =	sdelay $0x3  }
0xc2: {  	[tilespmem:s14+$0x12500] =	vst v2  }
0xc3: {  	v2 =	vld.idx.msk [tilespmem:v3+s8+$0x0], $0xffff;
	_ =	sdelay $0x1  }
0xc4: {  	v3 =	vor.u32 $0x18, v1;
	_ =	sdelay $0x3  }
0xc5: {  	[tilespmem:s14+$0x12580] =	vst v2  }
0xc6: {  	v2 =	vld.idx.msk [tilespmem:v3+s8+$0x0], $0xffff;
	_ =	sdelay $0x1  }
0xc7: {  	v3 =	vor.u32 $0x19, v1;
	_ =	sdelay $0x3  }
0xc8: {  	[tilespmem:s14+$0x13200] =	vst v2  }
0xc9: {  	v2 =	vld.idx.msk [tilespmem:v3+s8+$0x0], $0xffff;
	_ =	sdelay $0x1  }
0xca: {  	v3 =	vor.u32 $0x1A, v1;
	_ =	sdelay $0x3  }
0xcb: {  	[tilespmem:s14+$0x13280] =	vst v2  }
0xcc: {  	v2 =	vld.idx.msk [tilespmem:v3+s8+$0x0], $0xffff;
	_ =	sdelay $0x1  }
0xcd: {  	v3 =	vor.u32 $0x1B, v1;
	_ =	sdelay $0x3  }
0xce: {  	[tilespmem:s14+$0x13300] =	vst v2  }
0xcf: {  	v2 =	vld.idx.msk [tilespmem:v3+s8+$0x0], $0xffff;
	_ =	sdelay $0x1  }
0xd0: {  	v3 =	vor.u32 $0x1C, v1;
	_ =	sdelay $0x3  }
0xd1: {  	[tilespmem:s14+$0x13380] =	vst v2  }
0xd2: {  	v2 =	vld.idx.msk [tilespmem:v3+s8+$0x0], $0xffff;
	_ =	sdelay $0x1  }
0xd3: {  	v3 =	vor.u32 $0x1D, v1;
	_ =	sdelay $0x3  }
0xd4: {  	[tilespmem:s14+$0x13400] =	vst v2  }
0xd5: {  	v2 =	vld.idx.msk [tilespmem:v3+s8+$0x0], $0xffff;
	_ =	sdelay $0x1  }
0xd6: {  	v3 =	vor.u32 $0x1E, v1;
	_ =	sdelay $0x3  }
0xd7: {  	[tilespmem:s14+$0x13480] =	vst v2  }
0xd8: {  	v2 =	vld.idx.msk [tilespmem:v3+s8+$0x0], $0xffff;
	_ =	sdelay $0x1  }
0xd9: {  	v3 =	vor.u32 $0x1F, v1  }
.Ltmp0:
0xda: {  	(pc) =	sbr.rel @p0 .LBB2_2-.Ltmp0, $3  }
0xdb: {  	_ =	sdelay $0x1  }
0xdc: {  	[tilespmem:s14+$0x13500] =	vst v2  }
0xdd: {  	s17 =	sadd.s32 $0x10, s17;
	v1 =	vmov s15;
	v2 =	vld.idx.msk [tilespmem:v3+s8+$0x0], $0xffff  }
0xde: {  	v1 =	vshll.u32 v1, $0x7  }
0xdf: {  	v1 =	vor.u32 v0, v1;
	_ =	sdelay $0x3  }
0xe0: {  	[tilespmem:s14+$0x13580] =	vst v2  }
0xe1: {  	v2 =	vld.idx.msk [tilespmem:v1+s8+$0x0], $0xffff  }
0xe2: {  	v3 =	vor.u32 $0x1, v1  }
0xe3: {  	s16 =	sadd.s32 $0x80, s16  }
0xe4: {  	s30 =	sand.u32 $0x70, s15;
	s17 =	sand.u32 $0xC00, s16  }
0xe5: {  	s14 =	sor.u32 s30, s17  }
0xe6: {  	[tilespmem:s14+$0x10200] =	vst v2  }
0xe7: {  	v2 =	vld.idx.msk [tilespmem:v3+s8+$0x0], $0xffff  }
0xe8: {  	v3 =	vor.u32 $0x2, v1;
	_ =	sdelay $0x3  }
0xe9: {  	[tilespmem:s14+$0x10280] =	vst v2  }
0xea: {  	v2 =	vld.idx.msk [tilespmem:v3+s8+$0x0], $0xffff  }
0xeb: {  	v3 =	vor.u32 $0x3, v1;
	_ =	sdelay $0x3  }
0xec: {  	[tilespmem:s14+$0x10300] =	vst v2  }
0xed: {  	v2 =	vld.idx.msk [tilespmem:v3+s8+$0x0], $0xffff  }
0xee: {  	v3 =	vor.u32 $0x4, v1;
	_ =	sdelay $0x3  }
0xef: {  	[tilespmem:s14+$0x10380] =	vst v2  }
0xf0: {  	v2 =	vld.idx.msk [tilespmem:v3+s8+$0x0], $0xffff  }
0xf1: {  	v3 =	vor.u32 $0x5, v1;
	_ =	sdelay $0x3  }
0xf2: {  	[tilespmem:s14+$0x10400] =	vst v2  }
0xf3: {  	v2 =	vld.idx.msk [tilespmem:v3+s8+$0x0], $0xffff  }
0xf4: {  	v3 =	vor.u32 $0x6, v1;
	_ =	sdelay $0x3  }
0xf5: {  	[tilespmem:s14+$0x10480] =	vst v2  }
0xf6: {  	v2 =	vld.idx.msk [tilespmem:v3+s8+$0x0], $0xffff  }
0xf7: {  	v3 =	vor.u32 $0x7, v1;
	_ =	sdelay $0x3  }
0xf8: {  	[tilespmem:s14+$0x10500] =	vst v2  }
0xf9: {  	v2 =	vld.idx.msk [tilespmem:v3+s8+$0x0], $0xffff  }
0xfa: {  	v3 =	vor.u32 $0x8, v1;
	_ =	sdelay $0x1  }
0xfb: {  	s31 =	sor.u32 s16, s15  }
0xfc: {  	s15 =	sor.u32 $0x380, s31  }
0xfd: {  	[tilespmem:s15+$0x10200] =	vst v2  }
0xfe: {  	v2 =	vld.idx.msk [tilespmem:v3+s8+$0x0], $0xffff  }
0xff: {  	v3 =	vor.u32 $0x9, v1;
	_ =	sdelay $0x3  }
0x100: {  	[tilespmem:s14+$0x11200] =	vst v2  }
0x101: {  	v2 =	vld.idx.msk [tilespmem:v3+s8+$0x0], $0xffff  }
0x102: {  	v3 =	vor.u32 $0xA, v1;
	_ =	sdelay $0x3  }
0x103: {  	[tilespmem:s14+$0x11280] =	vst v2  }
0x104: {  	v2 =	vld.idx.msk [tilespmem:v3+s8+$0x0], $0xffff  }
0x105: {  	v3 =	vor.u32 $0xB, v1;
	_ =	sdelay $0x3  }
0x106: {  	[tilespmem:s14+$0x11300] =	vst v2  }
0x107: {  	v2 =	vld.idx.msk [tilespmem:v3+s8+$0x0], $0xffff  }
0x108: {  	v3 =	vor.u32 $0xC, v1;
	_ =	sdelay $0x3  }
0x109: {  	[tilespmem:s14+$0x11380] =	vst v2  }
0x10a: {  	v2 =	vld.idx.msk [tilespmem:v3+s8+$0x0], $0xffff  }
0x10b: {  	v3 =	vor.u32 $0xD, v1;
	_ =	sdelay $0x3  }
0x10c: {  	[tilespmem:s14+$0x11400] =	vst v2  }
0x10d: {  	v2 =	vld.idx.msk [tilespmem:v3+s8+$0x0], $0xffff  }
0x10e: {  	v3 =	vor.u32 $0xE, v1;
	_ =	sdelay $0x3  }
0x10f: {  	[tilespmem:s14+$0x11480] =	vst v2  }
0x110: {  	v2 =	vld.idx.msk [tilespmem:v3+s8+$0x0], $0xffff  }
0x111: {  	v3 =	vor.u32 $0xF, v1;
	_ =	sdelay $0x3  }
0x112: {  	[tilespmem:s14+$0x11500] =	vst v2  }
0x113: {  	v2 =	vld.idx.msk [tilespmem:v3+s8+$0x0], $0xffff  }
0x114: {  	v3 =	vor.u32 $0x10, v1;
	_ =	sdelay $0x3  }
0x115: {  	[tilespmem:s14+$0x11580] =	vst v2  }
0x116: {  	v2 =	vld.idx.msk [tilespmem:v3+s8+$0x0], $0xffff  }
0x117: {  	v3 =	vor.u32 $0x11, v1;
	_ =	sdelay $0x3  }
0x118: {  	[tilespmem:s14+$0x12200] =	vst v2  }
0x119: {  	v2 =	vld.idx.msk [tilespmem:v3+s8+$0x0], $0xffff  }
0x11a: {  	v3 =	vor.u32 $0x12, v1;
	_ =	sdelay $0x3  }
0x11b: {  	[tilespmem:s14+$0x12280] =	vst v2  }
0x11c: {  	v2 =	vld.idx.msk [tilespmem:v3+s8+$0x0], $0xffff  }
0x11d: {  	v3 =	vor.u32 $0x13, v1;
	_ =	sdelay $0x3  }
0x11e: {  	[tilespmem:s14+$0x12300] =	vst v2  }
0x11f: {  	v2 =	vld.idx.msk [tilespmem:v3+s8+$0x0], $0xffff  }
0x120: {  	v3 =	vor.u32 $0x14, v1;
	_ =	sdelay $0x3  }
0x121: {  	[tilespmem:s14+$0x12380] =	vst v2  }
0x122: {  	v2 =	vld.idx.msk [tilespmem:v3+s8+$0x0], $0xffff  }
0x123: {  	v3 =	vor.u32 $0x15, v1;
	_ =	sdelay $0x3  }
0x124: {  	[tilespmem:s14+$0x12400] =	vst v2  }
0x125: {  	v2 =	vld.idx.msk [tilespmem:v3+s8+$0x0], $0xffff  }
0x126: {  	v3 =	vor.u32 $0x16, v1;
	_ =	sdelay $0x3  }
0x127: {  	[tilespmem:s14+$0x12480] =	vst v2  }
0x128: {  	v2 =	vld.idx.msk [tilespmem:v3+s8+$0x0], $0xffff  }
0x129: {  	v3 =	vor.u32 $0x17, v1;
	_ =	sdelay $0x3  }
0x12a: {  	[tilespmem:s14+$0x12500] =	vst v2  }
0x12b: {  	v2 =	vld.idx.msk [tilespmem:v3+s8+$0x0], $0xffff  }
0x12c: {  	v3 =	vor.u32 $0x18, v1;
	_ =	sdelay $0x3  }
0x12d: {  	[tilespmem:s14+$0x12580] =	vst v2  }
0x12e: {  	v2 =	vld.idx.msk [tilespmem:v3+s8+$0x0], $0xffff  }
0x12f: {  	v3 =	vor.u32 $0x19, v1;
	_ =	sdelay $0x3  }
0x130: {  	[tilespmem:s14+$0x13200] =	vst v2  }
0x131: {  	v2 =	vld.idx.msk [tilespmem:v3+s8+$0x0], $0xffff  }
0x132: {  	v3 =	vor.u32 $0x1A, v1;
	_ =	sdelay $0x3  }
0x133: {  	[tilespmem:s14+$0x13280] =	vst v2  }
0x134: {  	v2 =	vld.idx.msk [tilespmem:v3+s8+$0x0], $0xffff  }
0x135: {  	v3 =	vor.u32 $0x1B, v1;
	_ =	sdelay $0x3  }
0x136: {  	[tilespmem:s14+$0x13300] =	vst v2  }
0x137: {  	v2 =	vld.idx.msk [tilespmem:v3+s8+$0x0], $0xffff  }
0x138: {  	v3 =	vor.u32 $0x1C, v1;
	_ =	sdelay $0x3  }
0x139: {  	[tilespmem:s14+$0x13380] =	vst v2  }
0x13a: {  	v2 =	vld.idx.msk [tilespmem:v3+s8+$0x0], $0xffff  }
0x13b: {  	v3 =	vor.u32 $0x1D, v1;
	_ =	sdelay $0x3  }
0x13c: {  	[tilespmem:s14+$0x13400] =	vst v2  }
0x13d: {  	v2 =	vld.idx.msk [tilespmem:v3+s8+$0x0], $0xffff  }
0x13e: {  	v3 =	vor.u32 $0x1E, v1;
	_ =	sdelay $0x3  }
0x13f: {  	[tilespmem:s14+$0x13480] =	vst v2  }
0x140: {  	v2 =	vld.idx.msk [tilespmem:v3+s8+$0x0], $0xffff  }
0x141: {  	v1 =	vor.u32 $0x1F, v1;
	_ =	sdelay $0x3  }
0x142: {  	[tilespmem:s14+$0x13500] =	vst v2  }
0x143: {  	v1 =	vld.idx.msk [tilespmem:v1+s8+$0x0], $0xffff;
	_ =	sdelay $0x2  }
0x144: {  	s13 =	sadd.s32 $0x1, s13  }
0x145: {  	p0 =	sne.s32 s13, s6  }
.Ltmp1:
0x146: {  	[tilespmem:s14+$0x13580] =	vst v1;
	(pc) =	sbr.rel @p0 .LBB2_1-.Ltmp1, $4  }
0x147: {  	[hbm4b:s5+s10] =	stream.strided.scatter [tilespmem:s12], [sflag:$0x2], $0x4000, s11, s10, $0x38;
	[tilespmem:$0x14200] =	vst v63  }
0x148: {  	_ =	swait.ge [sflag:s7], $0x4000  }
0x149: {  	[sflag:s7] =	ssyncset.done $0x0  }
0x14a: {  	[sflag:s7] =	ssyncadd.s32 $0xFFFFC000  }
0x14b: {  	_ =	sfence.sel $0x180000  }
0x14c: {  	[bflag:$0x0] =	sbarrier.arrive $0xFFFF  }
0x14d: {  	p0 =	sne.s32 s1, $0x0;
	_ =	strace $0x90000047  }
0x14e: {  	s0 =	sadd.s32 @!p0 $0x100000, s0;
	[bflag:$0x2] =	sbarrier.arrive $0xFFFF  }
0x14f: {  	[sflag:s0] =	ssyncadd.tile.s32 @!p0 $0x1;
	_ =	shalt  }
.Lfunc_end2:
_tile_overlayer_lowered:
.L_overlay_start_2:
0x150: {  	(tag) =	ssettag $0x2  }
0x151: {  	s0 =	rddreg [dreg:$0x0];
	s2 =	stileid.u32  }
0x152: {  	s1 =	rddreg [dreg:$0x1];
	p0 =	sne.s32 s2, $0x0  }
0x153: {  	s3 =	rddreg [dreg:$0x2];
	[bflag:$0x3] =	sbarrier.arrive $0xFFFF;
	s2 =	simm.s32 @!p0 $0x1C02  }
0x154: {  	[timem:s3], [sflag:s2] =	dma.local @!p0 [hbm:s0], s1  }
0x155: {  	s0 =	simm.s32 @!p0 $0x2  }
0x156: {  	_ =	swait.ge @!p0 [sflag:s0], s1  }
0x157: {  	s1 =	ssub.s32 @!p0 $0x0, s1;
	[sflag:s0] =	ssyncset.done @!p0 $0x0  }
0x158: {  	[sflag:s0] =	ssyncadd.s32 @!p0 s1  }
0x159: {  	[bflag:$0x3] =	sbarrier.arrive $0xFFFF  }
0x15a: {  	_ =	shalt  }

</sc_bundles>
